<compile_context>
chip_gen: v7x
topology: tpu7x:2x2x1
jax: 0.10.2.dev20260603
libtpu: 0.0.44.dev20260713+nightly
codegen_flags: <defaults>
</compile_context>

<pallas_src>
import functools

import jax
import jax.numpy as jnp
from jax import lax
from jax.experimental import pallas as pl
from jax.experimental.pallas import tpu as pltpu
from jax.experimental.pallas import tpu_sc as plsc

EMB_D = 16
N_ROWS = 16384 * 26
NUM_CORES = 2
NUM_SUBCORES = 16
NW = NUM_CORES * NUM_SUBCORES
B_PER_W = N_ROWS // NW
CHUNK = 3328
N_CHUNKS = B_PER_W // CHUNK

@functools.cache
def _make_gather_kernel():
    mesh = plsc.VectorSubcoreMesh(core_axis_name="c", subcore_axis_name="s")

    @functools.partial(
        pl.kernel,
        mesh=mesh,
        out_type=jax.ShapeDtypeStruct((N_ROWS, EMB_D), jnp.float32),
        scratch_types=[
            pltpu.VMEM((CHUNK,), jnp.int32),
            pltpu.VMEM((CHUNK, EMB_D), jnp.float32),
            pltpu.SemaphoreType.DMA,
        ],
        compiler_params=pltpu.CompilerParams(use_tc_tiling_on_sc=False),
    )
    def _gather_kernel(idx_hbm, table_hbm, out_hbm, idx_v, rows_v, sem):
        wid = lax.axis_index("s") * NUM_CORES + lax.axis_index("c")
        base = wid * B_PER_W
        for i in range(N_CHUNKS):
            off = base + i * CHUNK
            pltpu.sync_copy(idx_hbm.at[pl.ds(off, CHUNK)], idx_v)
            pltpu.async_copy(table_hbm.at[idx_v], rows_v, sem).wait()
            pltpu.sync_copy(rows_v, out_hbm.at[pl.ds(off, CHUNK)])

    return _gather_kernel


def kernel(context_idx, table):
    idx = context_idx.reshape(-1).astype(jnp.int32)
    out = _make_gather_kernel()(idx, table)
    return out.reshape(context_idx.shape + (EMB_D,))

# --- scband reference (transcript-rebuilt; emitter-appended) ---
"""Pipeline reference for scband-context-embedding-61100204752998 (READ-ONLY COPY).

The authoritative reference and input builder live on the scoring server;
editing this copy changes nothing except your own understanding.
"""

import jax, jax.numpy as jnp
import numpy as np

N_CONTEXTS = 1000000
EMB_DIM = 16
N_TOTAL = N_CONTEXTS + 1  # +1 for unseen-context buffer row


def setup_inputs(seed: int = 0) -> dict:
    key = jax.random.key(seed)
    k_idx, k_emb = jax.random.split(key)
    context_idx = jax.random.randint(k_idx, (16384, 26), 0, N_CONTEXTS, dtype=jnp.int64)
    # nn.Embedding default init: N(0, 1)
    table = jax.random.normal(k_emb, (N_TOTAL, EMB_DIM), dtype=jnp.float32)
    # set_buffer_to_mean: last row = mean of all other rows
    mean_vec = table[:-1].mean(axis=0)
    table = table.at[-1].set(mean_vec)
    return {"context_idx": context_idx, "table": table}


def reference(context_idx, table):
    # Eval-mode forward: no random unseen-buffer masking (training=False),
    # just the embedding lookup.
    return jnp.take(table, context_idx, axis=0)

if __name__ == "__main__":
    import jax
    _d = setup_inputs()
    print(jax.jit(kernel)(*tuple(_d.values())))

</pallas_src>

<mosaic_0001>
#map = affine_map<(d0, d1) -> (0)>
#map1 = affine_map<(d0, d1) -> (0, 0)>
module attributes {stable_mosaic.version = 14 : i64} {
  func.func @_gather_kernel(%arg0: i32, %arg1: i32, %arg2: memref<425984xi32, #tpu.memory_space<hbm>>, %arg3: memref<1000001x16xf32, #tpu.memory_space<hbm>>, %arg4: memref<425984x16xf32, #tpu.memory_space<hbm>>, %arg5: memref<3328xi32, #tpu.memory_space<vmem>>, %arg6: memref<3328x16xf32, #tpu.memory_space<vmem>>, %arg7: memref<!tpu.dma_semaphore, #tpu.memory_space<semaphore_mem>>) attributes {dimension_semantics = [#tpu.dimension_semantics<core_parallel>, #tpu.dimension_semantics<subcore_parallel>], iteration_bounds = array<i64: 2, 16>, scalar_prefetch = 0 : i64, scratch_operands = 3 : i64, tpu.core_type = #tpu.core_type<sc_vector_subcore>, window_params = [{transform_indices = #map}, {transform_indices = #map1}, {transform_indices = #map1}]} {
    %mul3A = arith.constant 2 : i32
    %mul3A_0 = arith.muli %arg1, %mul3A : i32
    %add3A = arith.addi %mul3A_0, %arg0 : i32
    %mul3A_1 = arith.constant 13312 : i32
    %mul3A_2 = arith.muli %add3A, %mul3A_1 : i32
    %add3A_3 = arith.constant 0 : i32
    %add3A_4 = arith.addi %mul3A_2, %add3A_3 : i32
    "tpu.region"() ({
      %run_scoped3A = tpu.sem_alloc : memref<!tpu.dma_semaphore, #tpu.memory_space<semaphore_mem>>
      %dma_start3A_33 = tpu.memref_slice %arg2[%add3A_4] : memref<425984xi32, #tpu.memory_space<hbm>> -> memref<3328xi32, #tpu.memory_space<hbm>>
      %dma_start3A_34 = tpu.memref_slice %arg2[%add3A_4] : memref<425984xi32, #tpu.memory_space<hbm>> -> memref<3328xi32, #tpu.memory_space<hbm>>
      tpu.enqueue_dma source(%dma_start3A_34 : memref<3328xi32, #tpu.memory_space<hbm>>) target(%arg5 : memref<3328xi32, #tpu.memory_space<vmem>>) target_semaphore(%run_scoped3A : memref<!tpu.dma_semaphore, #tpu.memory_space<semaphore_mem>>)
      %dma_wait3A_35 = tpu.memref_slice %arg2[%add3A_4] : memref<425984xi32, #tpu.memory_space<hbm>> -> memref<3328xi32, #tpu.memory_space<hbm>>
      %dma_wait3A_36 = tpu.memref_slice %arg2[%add3A_4] : memref<425984xi32, #tpu.memory_space<hbm>> -> memref<3328xi32, #tpu.memory_space<hbm>>
      tpu.wait_dma2 semaphore(%run_scoped3A : memref<!tpu.dma_semaphore, #tpu.memory_space<semaphore_mem>>) src(%dma_wait3A_36 : memref<3328xi32, #tpu.memory_space<hbm>>) dst(%arg5 : memref<3328xi32, #tpu.memory_space<vmem>>)
      tpu.yield
    }) : () -> ()
    %dma_start3A = arith.constant 0 : i32
    %dma_start3A_5 = arith.constant 0 : i32
    %dma_start3A_6 = tpu.memref_slice %arg3[%dma_start3A, %dma_start3A_5] : memref<1000001x16xf32, #tpu.memory_space<hbm>> -> memref<1000001x16xf32, #tpu.memory_space<hbm>>
    tpu.enqueue_indirect_dma source(%dma_start3A_6 : memref<1000001x16xf32, #tpu.memory_space<hbm>>) target(%arg6 : memref<3328x16xf32, #tpu.memory_space<vmem>>) offsets(%arg5 : memref<3328xi32, #tpu.memory_space<vmem>>) semaphore(%arg7 : memref<!tpu.dma_semaphore, #tpu.memory_space<semaphore_mem>>)
    %dma_wait3A = arith.constant 0 : i32
    %dma_wait3A_7 = arith.constant 0 : i32
    %dma_wait3A_8 = tpu.memref_slice %arg3[%dma_wait3A, %dma_wait3A_7] : memref<1000001x16xf32, #tpu.memory_space<hbm>> -> memref<1000001x16xf32, #tpu.memory_space<hbm>>
    tpu.wait_indirect_dma semaphore(%arg7 : memref<!tpu.dma_semaphore, #tpu.memory_space<semaphore_mem>>) src(%dma_wait3A_8 : memref<1000001x16xf32, #tpu.memory_space<hbm>>) dst(%arg6 : memref<3328x16xf32, #tpu.memory_space<vmem>>)
    "tpu.region"() ({
      %run_scoped3A = tpu.sem_alloc : memref<!tpu.dma_semaphore, #tpu.memory_space<semaphore_mem>>
      %dma_start3A_33 = arith.constant 0 : i32
      %dma_start3A_34 = tpu.memref_slice %arg4[%add3A_4, %dma_start3A_33] : memref<425984x16xf32, #tpu.memory_space<hbm>> -> memref<3328x16xf32, #tpu.memory_space<hbm>>
      %dma_start3A_35 = arith.constant 0 : i32
      %dma_start3A_36 = tpu.memref_slice %arg4[%add3A_4, %dma_start3A_35] : memref<425984x16xf32, #tpu.memory_space<hbm>> -> memref<3328x16xf32, #tpu.memory_space<hbm>>
      tpu.enqueue_dma source(%arg6 : memref<3328x16xf32, #tpu.memory_space<vmem>>) target(%dma_start3A_36 : memref<3328x16xf32, #tpu.memory_space<hbm>>) target_semaphore(%run_scoped3A : memref<!tpu.dma_semaphore, #tpu.memory_space<semaphore_mem>>)
      %dma_wait3A_37 = arith.constant 0 : i32
      %dma_wait3A_38 = tpu.memref_slice %arg4[%add3A_4, %dma_wait3A_37] : memref<425984x16xf32, #tpu.memory_space<hbm>> -> memref<3328x16xf32, #tpu.memory_space<hbm>>
      %dma_wait3A_39 = arith.constant 0 : i32
      %dma_wait3A_40 = tpu.memref_slice %arg4[%add3A_4, %dma_wait3A_39] : memref<425984x16xf32, #tpu.memory_space<hbm>> -> memref<3328x16xf32, #tpu.memory_space<hbm>>
      tpu.wait_dma2 semaphore(%run_scoped3A : memref<!tpu.dma_semaphore, #tpu.memory_space<semaphore_mem>>) src(%arg6 : memref<3328x16xf32, #tpu.memory_space<vmem>>) dst(%dma_wait3A_40 : memref<3328x16xf32, #tpu.memory_space<hbm>>)
      tpu.yield
    }) : () -> ()
    %add3A_9 = arith.constant 3328 : i32
    %add3A_10 = arith.addi %mul3A_2, %add3A_9 : i32
    "tpu.region"() ({
      %run_scoped3A = tpu.sem_alloc : memref<!tpu.dma_semaphore, #tpu.memory_space<semaphore_mem>>
      %dma_start3A_33 = tpu.memref_slice %arg2[%add3A_10] : memref<425984xi32, #tpu.memory_space<hbm>> -> memref<3328xi32, #tpu.memory_space<hbm>>
      %dma_start3A_34 = tpu.memref_slice %arg2[%add3A_10] : memref<425984xi32, #tpu.memory_space<hbm>> -> memref<3328xi32, #tpu.memory_space<hbm>>
      tpu.enqueue_dma source(%dma_start3A_34 : memref<3328xi32, #tpu.memory_space<hbm>>) target(%arg5 : memref<3328xi32, #tpu.memory_space<vmem>>) target_semaphore(%run_scoped3A : memref<!tpu.dma_semaphore, #tpu.memory_space<semaphore_mem>>)
      %dma_wait3A_35 = tpu.memref_slice %arg2[%add3A_10] : memref<425984xi32, #tpu.memory_space<hbm>> -> memref<3328xi32, #tpu.memory_space<hbm>>
      %dma_wait3A_36 = tpu.memref_slice %arg2[%add3A_10] : memref<425984xi32, #tpu.memory_space<hbm>> -> memref<3328xi32, #tpu.memory_space<hbm>>
      tpu.wait_dma2 semaphore(%run_scoped3A : memref<!tpu.dma_semaphore, #tpu.memory_space<semaphore_mem>>) src(%dma_wait3A_36 : memref<3328xi32, #tpu.memory_space<hbm>>) dst(%arg5 : memref<3328xi32, #tpu.memory_space<vmem>>)
      tpu.yield
    }) : () -> ()
    %dma_start3A_11 = arith.constant 0 : i32
    %dma_start3A_12 = arith.constant 0 : i32
    %dma_start3A_13 = tpu.memref_slice %arg3[%dma_start3A_11, %dma_start3A_12] : memref<1000001x16xf32, #tpu.memory_space<hbm>> -> memref<1000001x16xf32, #tpu.memory_space<hbm>>
    tpu.enqueue_indirect_dma source(%dma_start3A_13 : memref<1000001x16xf32, #tpu.memory_space<hbm>>) target(%arg6 : memref<3328x16xf32, #tpu.memory_space<vmem>>) offsets(%arg5 : memref<3328xi32, #tpu.memory_space<vmem>>) semaphore(%arg7 : memref<!tpu.dma_semaphore, #tpu.memory_space<semaphore_mem>>)
    %dma_wait3A_14 = arith.constant 0 : i32
    %dma_wait3A_15 = arith.constant 0 : i32
    %dma_wait3A_16 = tpu.memref_slice %arg3[%dma_wait3A_14, %dma_wait3A_15] : memref<1000001x16xf32, #tpu.memory_space<hbm>> -> memref<1000001x16xf32, #tpu.memory_space<hbm>>
    tpu.wait_indirect_dma semaphore(%arg7 : memref<!tpu.dma_semaphore, #tpu.memory_space<semaphore_mem>>) src(%dma_wait3A_16 : memref<1000001x16xf32, #tpu.memory_space<hbm>>) dst(%arg6 : memref<3328x16xf32, #tpu.memory_space<vmem>>)
    "tpu.region"() ({
      %run_scoped3A = tpu.sem_alloc : memref<!tpu.dma_semaphore, #tpu.memory_space<semaphore_mem>>
      %dma_start3A_33 = arith.constant 0 : i32
      %dma_start3A_34 = tpu.memref_slice %arg4[%add3A_10, %dma_start3A_33] : memref<425984x16xf32, #tpu.memory_space<hbm>> -> memref<3328x16xf32, #tpu.memory_space<hbm>>
      %dma_start3A_35 = arith.constant 0 : i32
      %dma_start3A_36 = tpu.memref_slice %arg4[%add3A_10, %dma_start3A_35] : memref<425984x16xf32, #tpu.memory_space<hbm>> -> memref<3328x16xf32, #tpu.memory_space<hbm>>
      tpu.enqueue_dma source(%arg6 : memref<3328x16xf32, #tpu.memory_space<vmem>>) target(%dma_start3A_36 : memref<3328x16xf32, #tpu.memory_space<hbm>>) target_semaphore(%run_scoped3A : memref<!tpu.dma_semaphore, #tpu.memory_space<semaphore_mem>>)
      %dma_wait3A_37 = arith.constant 0 : i32
      %dma_wait3A_38 = tpu.memref_slice %arg4[%add3A_10, %dma_wait3A_37] : memref<425984x16xf32, #tpu.memory_space<hbm>> -> memref<3328x16xf32, #tpu.memory_space<hbm>>
      %dma_wait3A_39 = arith.constant 0 : i32
      %dma_wait3A_40 = tpu.memref_slice %arg4[%add3A_10, %dma_wait3A_39] : memref<425984x16xf32, #tpu.memory_space<hbm>> -> memref<3328x16xf32, #tpu.memory_space<hbm>>
      tpu.wait_dma2 semaphore(%run_scoped3A : memref<!tpu.dma_semaphore, #tpu.memory_space<semaphore_mem>>) src(%arg6 : memref<3328x16xf32, #tpu.memory_space<vmem>>) dst(%dma_wait3A_40 : memref<3328x16xf32, #tpu.memory_space<hbm>>)
      tpu.yield
    }) : () -> ()
    %add3A_17 = arith.constant 6656 : i32
    %add3A_18 = arith.addi %mul3A_2, %add3A_17 : i32
    "tpu.region"() ({
      %run_scoped3A = tpu.sem_alloc : memref<!tpu.dma_semaphore, #tpu.memory_space<semaphore_mem>>
      %dma_start3A_33 = tpu.memref_slice %arg2[%add3A_18] : memref<425984xi32, #tpu.memory_space<hbm>> -> memref<3328xi32, #tpu.memory_space<hbm>>
      %dma_start3A_34 = tpu.memref_slice %arg2[%add3A_18] : memref<425984xi32, #tpu.memory_space<hbm>> -> memref<3328xi32, #tpu.memory_space<hbm>>
      tpu.enqueue_dma source(%dma_start3A_34 : memref<3328xi32, #tpu.memory_space<hbm>>) target(%arg5 : memref<3328xi32, #tpu.memory_space<vmem>>) target_semaphore(%run_scoped3A : memref<!tpu.dma_semaphore, #tpu.memory_space<semaphore_mem>>)
      %dma_wait3A_35 = tpu.memref_slice %arg2[%add3A_18] : memref<425984xi32, #tpu.memory_space<hbm>> -> memref<3328xi32, #tpu.memory_space<hbm>>
      %dma_wait3A_36 = tpu.memref_slice %arg2[%add3A_18] : memref<425984xi32, #tpu.memory_space<hbm>> -> memref<3328xi32, #tpu.memory_space<hbm>>
      tpu.wait_dma2 semaphore(%run_scoped3A : memref<!tpu.dma_semaphore, #tpu.memory_space<semaphore_mem>>) src(%dma_wait3A_36 : memref<3328xi32, #tpu.memory_space<hbm>>) dst(%arg5 : memref<3328xi32, #tpu.memory_space<vmem>>)
      tpu.yield
    }) : () -> ()
    %dma_start3A_19 = arith.constant 0 : i32
    %dma_start3A_20 = arith.constant 0 : i32
    %dma_start3A_21 = tpu.memref_slice %arg3[%dma_start3A_19, %dma_start3A_20] : memref<1000001x16xf32, #tpu.memory_space<hbm>> -> memref<1000001x16xf32, #tpu.memory_space<hbm>>
    tpu.enqueue_indirect_dma source(%dma_start3A_21 : memref<1000001x16xf32, #tpu.memory_space<hbm>>) target(%arg6 : memref<3328x16xf32, #tpu.memory_space<vmem>>) offsets(%arg5 : memref<3328xi32, #tpu.memory_space<vmem>>) semaphore(%arg7 : memref<!tpu.dma_semaphore, #tpu.memory_space<semaphore_mem>>)
    %dma_wait3A_22 = arith.constant 0 : i32
    %dma_wait3A_23 = arith.constant 0 : i32
    %dma_wait3A_24 = tpu.memref_slice %arg3[%dma_wait3A_22, %dma_wait3A_23] : memref<1000001x16xf32, #tpu.memory_space<hbm>> -> memref<1000001x16xf32, #tpu.memory_space<hbm>>
    tpu.wait_indirect_dma semaphore(%arg7 : memref<!tpu.dma_semaphore, #tpu.memory_space<semaphore_mem>>) src(%dma_wait3A_24 : memref<1000001x16xf32, #tpu.memory_space<hbm>>) dst(%arg6 : memref<3328x16xf32, #tpu.memory_space<vmem>>)
    "tpu.region"() ({
      %run_scoped3A = tpu.sem_alloc : memref<!tpu.dma_semaphore, #tpu.memory_space<semaphore_mem>>
      %dma_start3A_33 = arith.constant 0 : i32
      %dma_start3A_34 = tpu.memref_slice %arg4[%add3A_18, %dma_start3A_33] : memref<425984x16xf32, #tpu.memory_space<hbm>> -> memref<3328x16xf32, #tpu.memory_space<hbm>>
      %dma_start3A_35 = arith.constant 0 : i32
      %dma_start3A_36 = tpu.memref_slice %arg4[%add3A_18, %dma_start3A_35] : memref<425984x16xf32, #tpu.memory_space<hbm>> -> memref<3328x16xf32, #tpu.memory_space<hbm>>
      tpu.enqueue_dma source(%arg6 : memref<3328x16xf32, #tpu.memory_space<vmem>>) target(%dma_start3A_36 : memref<3328x16xf32, #tpu.memory_space<hbm>>) target_semaphore(%run_scoped3A : memref<!tpu.dma_semaphore, #tpu.memory_space<semaphore_mem>>)
      %dma_wait3A_37 = arith.constant 0 : i32
      %dma_wait3A_38 = tpu.memref_slice %arg4[%add3A_18, %dma_wait3A_37] : memref<425984x16xf32, #tpu.memory_space<hbm>> -> memref<3328x16xf32, #tpu.memory_space<hbm>>
      %dma_wait3A_39 = arith.constant 0 : i32
      %dma_wait3A_40 = tpu.memref_slice %arg4[%add3A_18, %dma_wait3A_39] : memref<425984x16xf32, #tpu.memory_space<hbm>> -> memref<3328x16xf32, #tpu.memory_space<hbm>>
      tpu.wait_dma2 semaphore(%run_scoped3A : memref<!tpu.dma_semaphore, #tpu.memory_space<semaphore_mem>>) src(%arg6 : memref<3328x16xf32, #tpu.memory_space<vmem>>) dst(%dma_wait3A_40 : memref<3328x16xf32, #tpu.memory_space<hbm>>)
      tpu.yield
    }) : () -> ()
    %add3A_25 = arith.constant 9984 : i32
    %add3A_26 = arith.addi %mul3A_2, %add3A_25 : i32
    "tpu.region"() ({
      %run_scoped3A = tpu.sem_alloc : memref<!tpu.dma_semaphore, #tpu.memory_space<semaphore_mem>>
      %dma_start3A_33 = tpu.memref_slice %arg2[%add3A_26] : memref<425984xi32, #tpu.memory_space<hbm>> -> memref<3328xi32, #tpu.memory_space<hbm>>
      %dma_start3A_34 = tpu.memref_slice %arg2[%add3A_26] : memref<425984xi32, #tpu.memory_space<hbm>> -> memref<3328xi32, #tpu.memory_space<hbm>>
      tpu.enqueue_dma source(%dma_start3A_34 : memref<3328xi32, #tpu.memory_space<hbm>>) target(%arg5 : memref<3328xi32, #tpu.memory_space<vmem>>) target_semaphore(%run_scoped3A : memref<!tpu.dma_semaphore, #tpu.memory_space<semaphore_mem>>)
      %dma_wait3A_35 = tpu.memref_slice %arg2[%add3A_26] : memref<425984xi32, #tpu.memory_space<hbm>> -> memref<3328xi32, #tpu.memory_space<hbm>>
      %dma_wait3A_36 = tpu.memref_slice %arg2[%add3A_26] : memref<425984xi32, #tpu.memory_space<hbm>> -> memref<3328xi32, #tpu.memory_space<hbm>>
      tpu.wait_dma2 semaphore(%run_scoped3A : memref<!tpu.dma_semaphore, #tpu.memory_space<semaphore_mem>>) src(%dma_wait3A_36 : memref<3328xi32, #tpu.memory_space<hbm>>) dst(%arg5 : memref<3328xi32, #tpu.memory_space<vmem>>)
      tpu.yield
    }) : () -> ()
    %dma_start3A_27 = arith.constant 0 : i32
    %dma_start3A_28 = arith.constant 0 : i32
    %dma_start3A_29 = tpu.memref_slice %arg3[%dma_start3A_27, %dma_start3A_28] : memref<1000001x16xf32, #tpu.memory_space<hbm>> -> memref<1000001x16xf32, #tpu.memory_space<hbm>>
    tpu.enqueue_indirect_dma source(%dma_start3A_29 : memref<1000001x16xf32, #tpu.memory_space<hbm>>) target(%arg6 : memref<3328x16xf32, #tpu.memory_space<vmem>>) offsets(%arg5 : memref<3328xi32, #tpu.memory_space<vmem>>) semaphore(%arg7 : memref<!tpu.dma_semaphore, #tpu.memory_space<semaphore_mem>>)
    %dma_wait3A_30 = arith.constant 0 : i32
    %dma_wait3A_31 = arith.constant 0 : i32
    %dma_wait3A_32 = tpu.memref_slice %arg3[%dma_wait3A_30, %dma_wait3A_31] : memref<1000001x16xf32, #tpu.memory_space<hbm>> -> memref<1000001x16xf32, #tpu.memory_space<hbm>>
    tpu.wait_indirect_dma semaphore(%arg7 : memref<!tpu.dma_semaphore, #tpu.memory_space<semaphore_mem>>) src(%dma_wait3A_32 : memref<1000001x16xf32, #tpu.memory_space<hbm>>) dst(%arg6 : memref<3328x16xf32, #tpu.memory_space<vmem>>)
    "tpu.region"() ({
      %run_scoped3A = tpu.sem_alloc : memref<!tpu.dma_semaphore, #tpu.memory_space<semaphore_mem>>
      %dma_start3A_33 = arith.constant 0 : i32
      %dma_start3A_34 = tpu.memref_slice %arg4[%add3A_26, %dma_start3A_33] : memref<425984x16xf32, #tpu.memory_space<hbm>> -> memref<3328x16xf32, #tpu.memory_space<hbm>>
      %dma_start3A_35 = arith.constant 0 : i32
      %dma_start3A_36 = tpu.memref_slice %arg4[%add3A_26, %dma_start3A_35] : memref<425984x16xf32, #tpu.memory_space<hbm>> -> memref<3328x16xf32, #tpu.memory_space<hbm>>
      tpu.enqueue_dma source(%arg6 : memref<3328x16xf32, #tpu.memory_space<vmem>>) target(%dma_start3A_36 : memref<3328x16xf32, #tpu.memory_space<hbm>>) target_semaphore(%run_scoped3A : memref<!tpu.dma_semaphore, #tpu.memory_space<semaphore_mem>>)
      %dma_wait3A_37 = arith.constant 0 : i32
      %dma_wait3A_38 = tpu.memref_slice %arg4[%add3A_26, %dma_wait3A_37] : memref<425984x16xf32, #tpu.memory_space<hbm>> -> memref<3328x16xf32, #tpu.memory_space<hbm>>
      %dma_wait3A_39 = arith.constant 0 : i32
      %dma_wait3A_40 = tpu.memref_slice %arg4[%add3A_26, %dma_wait3A_39] : memref<425984x16xf32, #tpu.memory_space<hbm>> -> memref<3328x16xf32, #tpu.memory_space<hbm>>
      tpu.wait_dma2 semaphore(%run_scoped3A : memref<!tpu.dma_semaphore, #tpu.memory_space<semaphore_mem>>) src(%arg6 : memref<3328x16xf32, #tpu.memory_space<vmem>>) dst(%dma_wait3A_40 : memref<3328x16xf32, #tpu.memory_space<hbm>>)
      tpu.yield
    }) : () -> ()
    return
  }
}

</mosaic_0001>

<sc_bundles>
// kernel: kernel.3.cloned.1.call-start
scs
__scs_entry_jumppad:
0x0: {  	(pc) =	sbr.rel $0x88, $3  }
0x1: {  	(tag) =	ssettag $0x0;
	lr =	simm.s32 $0x1  }
0x2: {  	[smem:$0x3F9F] =	sst lr;
	_ =	strace $0xD0000000  }
0x3: {  	_ = 	snop  }
0x4: {  	_ = 	snop  }
0x5: {  	_ = 	snop  }
0x6: {  	_ = 	snop  }
0x7: {  	_ = 	snop  }
__scs_overlays_trampoline_lowered:
0x8: {  	[smem:$0x3FAE] =	sst s0  }
0x9: {  	[smem:$0x3FAF] =	sst s1  }
0xa: {  	[smem:$0x3FB0] =	sst s2  }
0xb: {  	[smem:$0x3FB1] =	sst s3  }
0xc: {  	[smem:$0x3FB2] =	sst s4  }
0xd: {  	[smem:$0x3FB3] =	sst s5  }
0xe: {  	[smem:$0x3FB4] =	sst s6  }
0xf: {  	[smem:$0x3FB5] =	sst s7  }
0x10: {  	[smem:$0x3FB6] =	sst s8  }
0x11: {  	[smem:$0x3FB7] =	sst s9;
	s0 =	simm.s32 @!p0 $0x0  }
0x12: {  	s1 =	sld [smem:$0x3F9D];
	s0 =	simm.s32 @p0 $0x1  }
0x13: {  	[smem:$0x3FB8] =	sst s0;
	s0 =	simm.s32 @!p1 $0x0  }
0x14: {  	s2 =	sld [smem:$0x3F9C];
	s0 =	simm.s32 @p1 $0x1  }
0x15: {  	[smem:$0x3FB9] =	sst s0;
	s0 =	simm.s32 @!p2 $0x0  }
0x16: {  	s3 =	sld [smem:$0x3FDB];
	s0 =	simm.s32 @p2 $0x1  }
0x17: {  	s4 =	simm.s32 $0x1BF5;
	[smem:$0x3FBB] =	sst s0  }
0x18: {  	s0 =	sld [smem:$0x3F9E];
	_ =	swait.ge [sflag:s4], $0x0  }
0x19: {  	s7 =	sld [smem:$0x3F9F]  }
0x1a: {  	s8 =	sadd.s32 $0xFFFFE003, lr  }
0x1b: {  	s9 =	sadd.s32 $0xFFFFFEF7, lr;
	s5 =	simm.s32 $0xFFFFFFFF;
	p2 =	slt.u32 s8, $0xFFFFF086  }
0x1c: {  	p1 =	slt.u32 s9, $0xF7A;
	s5 =	simm.s32 @!p2 $0x0  }
0x1d: {  	s5 =	simm.s32 @p1 $0x1;
	p0 =	seq.s32 s7, s2  }
0x1e: {  	s7 =	smul.u32 @!p0 $0xF7A, s2;
	p2 =	seq.s32 @!p0 s5, $0x0  }
0x1f: {  	s9 =	smul.u32 $0xF7A, s1;
	s8 =	simm.s32 @!p0 $0x1BF5;
	p2 =	por !p2, p0  }
0x20: {  	[sflag:s8] =	ssyncset.s32 @!p0 $0xFFFFF086;
	s6 =	sadd.s32 @!p0 s3, s7;
	s7 =	simm.s32 @!p0 $0x108  }
0x21: {  	s3 =	sadd.s32 s3, s9;
	s6 =	sadd.s32 @!p0 $0x88, s6;
	s7 =	simm.s32 @p2 $0x1082  }
0x22: {  	[simem:s7], [sflag:s8] =	dma.local @!p0 [hbm:s6], $0xF7A  }
0x23: {  	s9 =	sor.u32 $0xD0000000, s2;
	s6 =	simm.s32 $0x108;
	_ =	swait.ge @!p0 [sflag:s8], $0x0  }
0x24: {  	s3 =	sadd.s32 $0x88, s3;
	s6 =	simm.s32 @!p1 $0x1082;
	[sflag:s4] =	ssyncset.s32 $0xFFFFF086  }
0x25: {  	[simem:s6], [sflag:s4] =	dma.local [hbm:s3], $0xF7A  }
0x26: {  	[smem:$0x3F9F] =	sst s1;
	(tag) =	ssettag s2;
	_ =	strace s9  }
0x27: {  	s1 =	sld [smem:$0x3FAF]  }
0x28: {  	s2 =	sld [smem:$0x3FB0]  }
0x29: {  	s4 =	sld [smem:$0x3FB2]  }
0x2a: {  	p0 =	seq.s32 s5, $0x0;
	s5 =	sld [smem:$0x3FB3]  }
0x2b: {  	s6 =	sld [smem:$0x3FB4]  }
0x2c: {  	s7 =	sld [smem:$0x3FB5]  }
0x2d: {  	s3 =	simm.s32 $0x108;
	s8 =	sld [smem:$0x3FB6]  }
0x2e: {  	s3 =	simm.s32 @!p0 $0x1082;
	s9 =	sld [smem:$0x3FB7]  }
0x2f: {  	lr =	sadd.s32 s0, s3;
	s0 =	sld [smem:$0x3FAE]  }
0x30: {  	s3 =	sld [smem:$0x3FB1]  }
0x31: {  	[smem:$0x3FBA] =	sst s10  }
0x32: {  	s10 =	sld [smem:$0x3FB8];
	_ =	sdelay $0x3  }
0x33: {  	p0 =	seq.s32 s10, $0x1;
	s10 =	sld [smem:$0x3FBA];
	_ =	sdelay $0x3  }
0x34: {  	[smem:$0x3FBA] =	sst s10  }
0x35: {  	s10 =	sld [smem:$0x3FB9];
	_ =	sdelay $0x3  }
0x36: {  	p1 =	seq.s32 s10, $0x1;
	s10 =	sld [smem:$0x3FBA];
	_ =	sdelay $0x3  }
0x37: {  	[smem:$0x3FBA] =	sst s10  }
0x38: {  	s10 =	sld [smem:$0x3FBB]  }
0x39: {  	_ = 	snop;
	(pc) =	sbr.ind lr, $3  }
0x3a: {  	_ = 	snop  }
0x3b: {  	_ = 	snop  }
0x3c: {  	p2 =	seq.s32 s10, $0x1;
	s10 =	sld [smem:$0x3FBA]  }
0x3d: {  	_ =	shalt  }
0x3e: {  	_ =	shalt  }
0x3f: {  	_ =	shalt  }
0x40: {  	_ =	shalt  }
0x41: {  	_ =	shalt  }
0x42: {  	_ =	shalt  }
0x43: {  	_ =	shalt  }
0x44: {  	_ =	shalt  }
0x45: {  	_ =	shalt  }
0x46: {  	_ =	shalt  }
0x47: {  	_ =	shalt  }
0x48: {  	_ =	shalt  }
0x49: {  	_ =	shalt  }
0x4a: {  	_ =	shalt  }
0x4b: {  	_ =	shalt  }
0x4c: {  	_ =	shalt  }
0x4d: {  	_ =	shalt  }
0x4e: {  	_ =	shalt  }
0x4f: {  	_ =	shalt  }
0x50: {  	_ =	shalt  }
0x51: {  	_ =	shalt  }
0x52: {  	_ =	shalt  }
0x53: {  	_ =	shalt  }
0x54: {  	_ =	shalt  }
0x55: {  	_ =	shalt  }
0x56: {  	_ =	shalt  }
0x57: {  	_ =	shalt  }
0x58: {  	_ =	shalt  }
0x59: {  	_ =	shalt  }
0x5a: {  	_ =	shalt  }
0x5b: {  	_ =	shalt  }
0x5c: {  	_ =	shalt  }
0x5d: {  	_ =	shalt  }
0x5e: {  	_ =	shalt  }
0x5f: {  	_ =	shalt  }
0x60: {  	_ =	shalt  }
0x61: {  	_ =	shalt  }
0x62: {  	_ =	shalt  }
0x63: {  	_ =	shalt  }
0x64: {  	_ =	shalt  }
0x65: {  	_ =	shalt  }
0x66: {  	_ =	shalt  }
0x67: {  	_ =	shalt  }
0x68: {  	_ =	shalt  }
0x69: {  	_ =	shalt  }
0x6a: {  	_ =	shalt  }
0x6b: {  	_ =	shalt  }
0x6c: {  	_ =	shalt  }
0x6d: {  	_ =	shalt  }
0x6e: {  	_ =	shalt  }
0x6f: {  	_ =	shalt  }
0x70: {  	_ =	shalt  }
0x71: {  	_ =	shalt  }
0x72: {  	_ =	shalt  }
0x73: {  	_ =	shalt  }
0x74: {  	_ =	shalt  }
0x75: {  	_ =	shalt  }
0x76: {  	_ =	shalt  }
0x77: {  	_ =	shalt  }
0x78: {  	_ =	shalt  }
0x79: {  	_ =	shalt  }
0x7a: {  	_ =	shalt  }
0x7b: {  	_ =	shalt  }
0x7c: {  	_ =	shalt  }
0x7d: {  	_ =	shalt  }
0x7e: {  	_ =	shalt  }
0x7f: {  	_ =	shalt  }
0x80: {  	_ =	shalt  }
0x81: {  	_ =	shalt  }
0x82: {  	_ =	shalt  }
0x83: {  	_ =	shalt  }
0x84: {  	_ =	shalt  }
0x85: {  	_ =	shalt  }
0x86: {  	_ =	shalt  }
0x87: {  	_ =	shalt  }
.Lfunc_end0:
.L_simem_size_0:
called_computation_lowered:
.L_overlay_start_0:
0x88: {  	s2 =	sld [smem:$0x3FD9]  }
0x89: {  	s3 =	sld [smem:$0x3FFE];
	_ =	sdelay $0x1  }
0x8a: {  	s1 =	srdreg.scid  }
0x8b: {  	s0 =	sand.u32 $0x1, s1  }
0x8c: {  	s17 =	sshll.u32 s0, $0xA;
	s2 =	sadd.s32 s3, s2  }
0x8d: {  	s2 =	sadd.s32 s2, s17  }
0x8e: {  	[smem:$0x3FC6] =	sst s2  }
0x8f: {  	_ = 	snop  }
0x90: {  	s2 =	sld [smem:$0x3FD0];
	(tm) =	ssettm $0x1  }
0x91: {  	s18 =	sld [smem:$0x3FFB];
	_ =	sdelay $0x3  }
0x92: {  	_ =	strace s18  }
0x93: {  	s3 =	sld [smem:$0x3FFC];
	_ =	sdelay $0x3  }
0x94: {  	_ =	strace s3  }
0x95: {  	s3 =	sld [smem:$0x3FFD];
	_ =	sdelay $0x3  }
0x96: {  	_ =	strace s3  }
0x97: {  	_ =	strace $0x8FFFFFFF  }
0x98: {  	s19 =	sld [smem:$0x3FDB];
	_ =	sdelay $0x1  }
0x99: {  	s4 =	simm.s32 $_scs_section_size  }
0x9a: {  	s5 =	simm.s32 $_size__tile_overlayer_lowered;
	s6 =	simm.s32 $_tile_overlayer_lowered  }
0x9b: {  	s22 =	simm.s32 $0x1BFF;
	s21 =	sshll.u32 s6, $0x1;
	s3 =	sadd.s32 s4, s19  }
0x9c: {  	s7 =	simm.s32 $0x0;
	s20 =	sshll.u32 s5, $0x1;
	s5 =	sadd.s32 s21, s3  }
0x9d: {  	[timem:s7], [sflag:s22] =	dma.local [hbm:s5], s20  }
0x9e: {  	_ =	swait.ge [sflag:s22], s20  }
0x9f: {  	s4 =	ssub.s32 $0x0, s20;
	[sflag:s22] =	ssyncset.done $0x0  }
0xa0: {  	[sflag:s22] =	ssyncadd.s32 s4;
	_ =	sdelay $0x1  }
0xa1: {  	s23 =	simm.s32 $0x1B8B  }
0xa2: {  	_ =	swait.ge [sflag:s23], $0x1  }
0xa3: {  	[sflag:s23] =	ssyncset.done $0x0  }
0xa4: {  	s25 =	simm.s32 $0x1B8E;
	s24 =	sld [smem:$0x3FFE];
	[sflag:s23] =	ssyncadd.s32 $0xFFFFFFFF  }
0xa5: {  	s26 =	simm.s32 $execute0_lowered;
	[smem:$0x3FD2] =	sst s25  }
0xa6: {  	s5 =	sshll.u32 s26, $0x1;
	_ =	strace $0x80000046;
	[dreg:$0x1] =	wrdreg $0xFFFFFFFF  }
0xa7: {  	s28 =	simm.s32 $_size_execute0_lowered;
	s3 =	sadd.s32 s3, s5;
	[dreg:$0x0] =	wrdreg $0x0  }
0xa8: {  	s5 =	sshll.u32 s28, $0x1;
	[dreg:$0x2] =	wrdreg s3  }
0xa9: {  	[dreg:$0x3] =	wrdreg s5  }
0xaa: {  	[dreg:$0x4] =	wrdreg $0xC0  }
0xab: {  	_ =	task [dreg:s7], $0x5FFFF  }
0xac: {  	[dreg:$0x1] =	wrdreg $0xFFFFFFFF  }
0xad: {  	[dreg:$0x0] =	wrdreg $0x60  }
0xae: {  	[dreg:$0x2] =	wrdreg s24  }
0xaf: {  	[dreg:$0x3] =	wrdreg s2  }
0xb0: {  	[dreg:$0x4] =	wrdreg $0x9  }
0xb1: {  	_ =	task.clear_ibuf [dreg:s7], $0x5FFFF;
	_ =	strace $0x90000046  }
0xb2: {  	s29 =	simm.s32 $0x9;
	_ =	strace $0x80000048  }
0xb3: {  	_ =	swait.ge [sflag:s29], $0x1  }
0xb4: {  	[sflag:s29] =	ssyncadd.s32 $0xFFFFFFFF  }
0xb5: {  	_ =	strace $0x90000048  }
0xb6: {  	_ =	sfence  }
0xb7: {  	s30 =	sld [smem:$0x0];
	_ =	sdelay $0x2  }
0xb8: {  	s31 =	sshll.u32 s1, $0xD;
	s1 =	sshrl.u32 s1, $0x2  }
0xb9: {  	s3 =	sand.u32 $0x4000, s31;
	s1 =	sadd.s32 s1, s30  }
0xba: {  	s0 =	sor.u32 s3, s0;
	s1 =	sshll.u32 s1, $0x11  }
0xbb: {  	s0 =	sor.u32 s1, s0  }
0xbc: {  	s0 =	sadd.s32 $0x8F2B, s0  }
0xbd: {  	[sflag:s0] =	ssyncadd.remote.s32 $0x1  }
0xbe: {  	_ =	sfence.sel $0xFFFF  }
0xbf: {  	[dreg:$0x0] =	wrdreg $0xFFFFFFFF;
	(pc) =	sbr.abs _section_cstart, $3  }
0xc0: {  	[dreg:$0x1] =	wrdreg $0xFFFFFFFF  }
0xc1: {  	_ =	task.clear_ibuf [dreg:s7], $0x2FFFF;
	_ =	strace $0x9FFFFFFF  }
0xc2: {  	(tm) =	ssettm $0x7FFFFFFF  }
0xc3: {  	_ =	shalt  }
tec
execute0_lowered:
.L_overlay_start_1:
0x0: {  	(tag) =	ssettag $0x1  }
0x1: {  	s1 =	srdreg.scid;
	s0 =	stileid.u32  }
0x2: {  	s15 =	sand.u32 $0x1, s1;
	s29 =	sshll.u32 s0, $0x1  }
0x3: {  	s5 =	rddreg [dreg:$0x0];
	s8 =	sor.u32 s15, s29  }
0x4: {  	s14 =	rddreg [dreg:$0x1];
	s13 =	smul.u32 $0x3400, s8  }
0x5: {  	s2 =	simm.s32 $0x0;
	s1 =	rddreg [dreg:$0x2]  }
0x6: {  	[smem:$0x7FF] =	sst s2;
	s16 =	sadd.s32 $0x600, s5;
	s3 =	sshrl.u32 s13, $0x3  }
0x7: {  	_ =	strace $0x80000047;
	s4 =	sadd.s32 s16, s3;
	s3 =	simm.s32 $0x2  }
0x8: {  	[tilespmem:s2], [sflag:$0x2] =	stream.linear.gather [hbm4b:s4+s2], $0xD00, $0x38;
	[tilespmem:$0xDD00] =	vst v63  }
0x9: {  	_ =	swait.ge [sflag:s3], $0xD00  }
0xa: {  	s6 =	simm.s32 $0xD00;
	[sflag:s3] =	ssyncset.done $0x0  }
0xb: {  	s7 =	simm.s32 $0x1;
	s5 =	sadd.s32 $0xF42C00, s5;
	[sflag:s3] =	ssyncadd.s32 $0xFFFFF300  }
0xc: {  	[tilespmem:s6], [sflag:$0x1] =	stream.indirect.gather [hbm4b:s5+s6], $0x10, s2, s6, $0xb8;
	[tilespmem:$0xDD00] =	vst v63  }
0xd: {  	s8 =	smul.u32 $0x6800, s8;
	_ =	swait.ge [sflag:s7], $0xD000  }
0xe: {  	[sflag:s7] =	ssyncset.done $0x0  }
0xf: {  	s8 =	sadd.s32 s14, s8;
	[sflag:s7] =	ssyncadd.s32 $0xFFFF3000  }
0x10: {  	[hbm4b:s8+s2] =	stream.linear.scatter [tilespmem:s6], [sflag:$0x2], $0xD000, $0x38;
	[tilespmem:$0xDD00] =	vst v63  }
0x11: {  	s10 =	sadd.s32 $0xD00, s13;
	_ =	swait.ge [sflag:s3], $0xD000  }
0x12: {  	s9 =	sshrl.u32 s10, $0x3;
	[sflag:s3] =	ssyncset.done $0x0  }
0x13: {  	s9 =	sadd.s32 s16, s9;
	[sflag:s3] =	ssyncadd.s32 $0xFFFF3000  }
0x14: {  	[tilespmem:s2], [sflag:$0x2] =	stream.linear.gather [hbm4b:s9+s2], $0xD00, $0x38;
	[tilespmem:$0xDD00] =	vst v63  }
0x15: {  	_ =	swait.ge [sflag:s3], $0xD00  }
0x16: {  	[sflag:s3] =	ssyncset.done $0x0  }
0x17: {  	[sflag:s3] =	ssyncadd.s32 $0xFFFFF300  }
0x18: {  	[tilespmem:s6], [sflag:$0x1] =	stream.indirect.gather [hbm4b:s5+s6], $0x10, s2, s6, $0xb8;
	[tilespmem:$0xDD00] =	vst v63  }
0x19: {  	_ =	swait.ge [sflag:s7], $0xD000  }
0x1a: {  	s10 =	sshll.u32 s10, $0x1;
	[sflag:s7] =	ssyncset.done $0x0  }
0x1b: {  	s10 =	sadd.s32 s14, s10;
	[sflag:s7] =	ssyncadd.s32 $0xFFFF3000  }
0x1c: {  	[hbm4b:s10+s2] =	stream.linear.scatter [tilespmem:s6], [sflag:$0x2], $0xD000, $0x38;
	[tilespmem:$0xDD00] =	vst v63  }
0x1d: {  	s12 =	sadd.s32 $0x1A00, s13;
	_ =	swait.ge [sflag:s3], $0xD000  }
0x1e: {  	s11 =	sshrl.u32 s12, $0x3;
	[sflag:s3] =	ssyncset.done $0x0  }
0x1f: {  	s11 =	sadd.s32 s16, s11;
	[sflag:s3] =	ssyncadd.s32 $0xFFFF3000  }
0x20: {  	[tilespmem:s2], [sflag:$0x2] =	stream.linear.gather [hbm4b:s11+s2], $0xD00, $0x38;
	[tilespmem:$0xDD00] =	vst v63  }
0x21: {  	_ =	swait.ge [sflag:s3], $0xD00  }
0x22: {  	[sflag:s3] =	ssyncset.done $0x0  }
0x23: {  	[sflag:s3] =	ssyncadd.s32 $0xFFFFF300  }
0x24: {  	[tilespmem:s6], [sflag:$0x1] =	stream.indirect.gather [hbm4b:s5+s6], $0x10, s2, s6, $0xb8;
	[tilespmem:$0xDD00] =	vst v63  }
0x25: {  	_ =	swait.ge [sflag:s7], $0xD000  }
0x26: {  	s12 =	sshll.u32 s12, $0x1;
	[sflag:s7] =	ssyncset.done $0x0  }
0x27: {  	s12 =	sadd.s32 s14, s12;
	[sflag:s7] =	ssyncadd.s32 $0xFFFF3000  }
0x28: {  	[hbm4b:s12+s2] =	stream.linear.scatter [tilespmem:s6], [sflag:$0x2], $0xD000, $0x38;
	[tilespmem:$0xDD00] =	vst v63  }
0x29: {  	s17 =	sadd.s32 $0x2700, s13;
	_ =	swait.ge [sflag:s3], $0xD000  }
0x2a: {  	s13 =	sshrl.u32 s17, $0x3;
	[sflag:s3] =	ssyncset.done $0x0  }
0x2b: {  	s15 =	ssub.s32 $0x2, s15;
	s13 =	sadd.s32 s16, s13;
	[sflag:s3] =	ssyncadd.s32 $0xFFFF3000  }
0x2c: {  	[tilespmem:s2], [sflag:$0x2] =	stream.linear.gather [hbm4b:s13+s2], $0xD00, $0x38;
	[tilespmem:$0xDD00] =	vst v63  }
0x2d: {  	s30 =	sshrl.u32 s15, $0x1;
	_ =	swait.ge [sflag:s3], $0xD00  }
0x2e: {  	s15 =	ssub.s32 s15, s30;
	[sflag:s3] =	ssyncset.done $0x0  }
0x2f: {  	s15 =	smax.u32 s15, $0x1;
	[sflag:s3] =	ssyncadd.s32 $0xFFFFF300  }
0x30: {  	[tilespmem:s6], [sflag:$0x1] =	stream.indirect.gather [hbm4b:s5+s6], $0x10, s2, s6, $0xb8;
	[tilespmem:$0xDD00] =	vst v63  }
0x31: {  	p0 =	sne.s32 s15, $0x1;
	_ =	swait.ge [sflag:s7], $0xD000  }
.Ltmp0:
0x32: {  	s31 =	sshll.u32 s17, $0x1;
	[sflag:s7] =	ssyncset.done $0x0;
	(pc) =	sbr.rel @!p0 .LBB2_2-.Ltmp0, $4  }
0x33: {  	s14 =	sadd.s32 s14, s31;
	[sflag:s7] =	ssyncadd.s32 $0xFFFF3000  }
0x34: {  	[hbm4b:s14+s2] =	stream.linear.scatter [tilespmem:s6], [sflag:$0x2], $0xD000, $0x38;
	[tilespmem:$0xDD00] =	vst v63  }
0x35: {  	_ =	swait.ge [sflag:s3], $0xD000  }
0x36: {  	s15 =	sadd.s32 $0xFFFFFFFF, s15;
	[sflag:s3] =	ssyncset.done $0x0  }
.LBB2_1:
0x37: {  	p0 =	sne.s32 s15, $0x1;
	s15 =	sadd.s32 $0xFFFFFFFF, s15;
	[sflag:s3] =	ssyncadd.s32 $0xFFFF3000  }
0x38: {  	[tilespmem:s2], [sflag:$0x2] =	stream.linear.gather [hbm4b:s4+s2], $0xD00, $0x38;
	[tilespmem:$0xDD00] =	vst v63  }
0x39: {  	_ =	swait.ge [sflag:s3], $0xD00  }
0x3a: {  	[sflag:s3] =	ssyncset.done $0x0  }
0x3b: {  	[sflag:s3] =	ssyncadd.s32 $0xFFFFF300  }
0x3c: {  	[tilespmem:s6], [sflag:$0x1] =	stream.indirect.gather [hbm4b:s5+s6], $0x10, s2, s6, $0xb8;
	[tilespmem:$0xDD00] =	vst v63  }
0x3d: {  	_ =	swait.ge [sflag:s7], $0xD000  }
0x3e: {  	[sflag:s7] =	ssyncset.done $0x0  }
0x3f: {  	[sflag:s7] =	ssyncadd.s32 $0xFFFF3000  }
0x40: {  	[hbm4b:s8+s2] =	stream.linear.scatter [tilespmem:s6], [sflag:$0x2], $0xD000, $0x38;
	[tilespmem:$0xDD00] =	vst v63  }
0x41: {  	_ =	swait.ge [sflag:s3], $0xD000  }
0x42: {  	[sflag:s3] =	ssyncset.done $0x0  }
0x43: {  	[sflag:s3] =	ssyncadd.s32 $0xFFFF3000  }
0x44: {  	[tilespmem:s2], [sflag:$0x2] =	stream.linear.gather [hbm4b:s9+s2], $0xD00, $0x38;
	[tilespmem:$0xDD00] =	vst v63  }
0x45: {  	_ =	swait.ge [sflag:s3], $0xD00  }
0x46: {  	[sflag:s3] =	ssyncset.done $0x0  }
0x47: {  	[sflag:s3] =	ssyncadd.s32 $0xFFFFF300  }
0x48: {  	[tilespmem:s6], [sflag:$0x1] =	stream.indirect.gather [hbm4b:s5+s6], $0x10, s2, s6, $0xb8;
	[tilespmem:$0xDD00] =	vst v63  }
0x49: {  	_ =	swait.ge [sflag:s7], $0xD000  }
0x4a: {  	[sflag:s7] =	ssyncset.done $0x0  }
0x4b: {  	[sflag:s7] =	ssyncadd.s32 $0xFFFF3000  }
0x4c: {  	[hbm4b:s10+s2] =	stream.linear.scatter [tilespmem:s6], [sflag:$0x2], $0xD000, $0x38;
	[tilespmem:$0xDD00] =	vst v63  }
0x4d: {  	_ =	swait.ge [sflag:s3], $0xD000  }
0x4e: {  	[sflag:s3] =	ssyncset.done $0x0  }
0x4f: {  	[sflag:s3] =	ssyncadd.s32 $0xFFFF3000  }
0x50: {  	[tilespmem:s2], [sflag:$0x2] =	stream.linear.gather [hbm4b:s11+s2], $0xD00, $0x38;
	[tilespmem:$0xDD00] =	vst v63  }
0x51: {  	_ =	swait.ge [sflag:s3], $0xD00  }
0x52: {  	[sflag:s3] =	ssyncset.done $0x0  }
0x53: {  	[sflag:s3] =	ssyncadd.s32 $0xFFFFF300  }
0x54: {  	[tilespmem:s6], [sflag:$0x1] =	stream.indirect.gather [hbm4b:s5+s6], $0x10, s2, s6, $0xb8;
	[tilespmem:$0xDD00] =	vst v63  }
0x55: {  	_ =	swait.ge [sflag:s7], $0xD000  }
0x56: {  	[sflag:s7] =	ssyncset.done $0x0  }
0x57: {  	[sflag:s7] =	ssyncadd.s32 $0xFFFF3000  }
0x58: {  	[hbm4b:s12+s2] =	stream.linear.scatter [tilespmem:s6], [sflag:$0x2], $0xD000, $0x38;
	[tilespmem:$0xDD00] =	vst v63  }
0x59: {  	_ =	swait.ge [sflag:s3], $0xD000  }
0x5a: {  	[sflag:s3] =	ssyncset.done $0x0  }
0x5b: {  	[sflag:s3] =	ssyncadd.s32 $0xFFFF3000  }
0x5c: {  	[tilespmem:s2], [sflag:$0x2] =	stream.linear.gather [hbm4b:s13+s2], $0xD00, $0x38;
	[tilespmem:$0xDD00] =	vst v63  }
0x5d: {  	_ =	swait.ge [sflag:s3], $0xD00  }
0x5e: {  	[sflag:s3] =	ssyncset.done $0x0  }
0x5f: {  	[sflag:s3] =	ssyncadd.s32 $0xFFFFF300  }
0x60: {  	[tilespmem:s6], [sflag:$0x1] =	stream.indirect.gather [hbm4b:s5+s6], $0x10, s2, s6, $0xb8;
	[tilespmem:$0xDD00] =	vst v63  }
0x61: {  	_ =	swait.ge [sflag:s7], $0xD000  }
.Ltmp1:
0x62: {  	[sflag:s7] =	ssyncset.done $0x0;
	(pc) =	sbr.rel @p0 .LBB2_1-.Ltmp1, $4  }
0x63: {  	[sflag:s7] =	ssyncadd.s32 $0xFFFF3000  }
0x64: {  	[hbm4b:s14+s2] =	stream.linear.scatter [tilespmem:s6], [sflag:$0x2], $0xD000, $0x38;
	[tilespmem:$0xDD00] =	vst v63  }
0x65: {  	_ =	swait.ge [sflag:s3], $0xD000  }
0x66: {  	[sflag:s3] =	ssyncset.done $0x0  }
.LBB2_2:
0x67: {  	[sflag:s3] =	ssyncadd.s32 $0xFFFF3000  }
0x68: {  	_ =	sfence.sel $0x180000  }
0x69: {  	[bflag:$0x0] =	sbarrier.arrive $0xFFFF  }
0x6a: {  	p0 =	sne.s32 s0, $0x0;
	_ =	strace $0x90000047  }
0x6b: {  	s0 =	sadd.s32 @!p0 $0x100000, s1;
	[bflag:$0x2] =	sbarrier.arrive $0xFFFF  }
0x6c: {  	[sflag:s0] =	ssyncadd.tile.s32 @!p0 $0x1;
	_ =	shalt  }
.Lfunc_end2:
_tile_overlayer_lowered:
.L_overlay_start_2:
0x6d: {  	(tag) =	ssettag $0x2  }
0x6e: {  	s0 =	rddreg [dreg:$0x0];
	s2 =	stileid.u32  }
0x6f: {  	s1 =	rddreg [dreg:$0x1];
	p0 =	sne.s32 s2, $0x0  }
0x70: {  	s3 =	rddreg [dreg:$0x2];
	[bflag:$0x3] =	sbarrier.arrive $0xFFFF;
	s2 =	simm.s32 @!p0 $0x1C02  }
0x71: {  	[timem:s3], [sflag:s2] =	dma.local @!p0 [hbm:s0], s1  }
0x72: {  	s0 =	simm.s32 @!p0 $0x2  }
0x73: {  	_ =	swait.ge @!p0 [sflag:s0], s1  }
0x74: {  	s1 =	ssub.s32 @!p0 $0x0, s1;
	[sflag:s0] =	ssyncset.done @!p0 $0x0  }
0x75: {  	[sflag:s0] =	ssyncadd.s32 @!p0 s1  }
0x76: {  	[bflag:$0x3] =	sbarrier.arrive $0xFFFF  }
0x77: {  	_ =	shalt  }

</sc_bundles>
